<compile_context>
chip_gen: v7x
topology: tpu7x:2x2x1
jax: 0.10.2.dev20260603
libtpu: 0.0.44.dev20260713+nightly
codegen_flags: <defaults>
</compile_context>

<pallas_src>
import functools

import jax
import jax.numpy as jnp
from jax import lax
from jax.experimental import pallas as pl
from jax.experimental.pallas import tpu as pltpu
from jax.experimental.pallas import tpu_sc as plsc

NC, NS, L = 2, 16, 16
NW = NC * NS


def _lse_body(w_ref, lse_ref):
    w = w_ref[...]
    m = jnp.max(w, axis=1)
    s = jnp.sum(jnp.exp(w - m[:, None]), axis=1)
    lse_ref[...] = m + jnp.log(s)


def _mean_body(p_ref, o_ref, *, inv_n):
    o_ref[0, 0] = jnp.sum(p_ref[...]) * inv_n


def _logits_t_body(xb_ref, wh_ref, outT_ref, *, V):
    xv = xb_ref[0, :]
    ids = lax.broadcasted_iota(jnp.int32, (V, xv.shape[0]), 0)
    oh = (ids == xv[None, :]).astype(jnp.bfloat16)
    dn = (((1,), (0,)), ((), ()))
    outT_ref[...] = lax.dot_general(wh_ref[...], oh, dn,
                                    preferred_element_type=jnp.float32)


def _make_sc_rows(V, C, N, K):
    per_w = N // NW
    nchunk = per_w // K
    mesh = plsc.VectorSubcoreMesh(
        core_axis_name="c", subcore_axis_name="s",
        num_cores=NC, num_subcores=NS)

    @functools.partial(
        pl.kernel,
        out_type=jax.ShapeDtypeStruct((N, C), jnp.float32),
        mesh=mesh,
        compiler_params=pltpu.CompilerParams(
            needs_layout_passes=False, use_tc_tiling_on_sc=False),
        scratch_types=[
            pltpu.VMEM((per_w,), jnp.int32),
            pltpu.VMEM((K, C), jnp.float32),
            pltpu.VMEM((K, C), jnp.float32),
            pltpu.SemaphoreType.DMA,
            pltpu.SemaphoreType.DMA,
            pltpu.SemaphoreType.DMA,
            pltpu.SemaphoreType.DMA,
        ],
    )
    def sc_a(w_hbm, x_hbm, out_hbm, idx_v, rows0_v, rows1_v,
             gsem0, gsem1, wsem0, wsem1):
        wid = lax.axis_index("s") * NC + lax.axis_index("c")
        base = wid * per_w
        pltpu.sync_copy(x_hbm.at[pl.ds(base, per_w)], idx_v)

        bufs = ((rows0_v, gsem0, wsem0), (rows1_v, gsem1, wsem1))
        pltpu.async_copy(w_hbm.at[idx_v.at[pl.ds(0, K)]], rows0_v, gsem0)
        pltpu.async_copy(w_hbm.at[idx_v.at[pl.ds(K, K)]], rows1_v, gsem1)

        def pair(i, carry):
            for b, (rows_v, gsem, wsem) in enumerate(bufs):
                c = 2 * i + b
                pltpu.make_async_copy(
                    w_hbm.at[idx_v.at[pl.ds(c * K, K)]], rows_v, gsem).wait()
                wcopy = pltpu.async_copy(
                    rows_v, out_hbm.at[pl.ds(base + c * K, K)], wsem)
                wcopy.wait()
                @pl.when(c + 2 < nchunk)
                def _():
                    pltpu.async_copy(
                        w_hbm.at[idx_v.at[pl.ds((c + 2) * K, K)]],
                        rows_v, gsem)
            return carry

        lax.fori_loop(0, nchunk // 2, pair, 0)

    return sc_a


def _make_sc_loss(V, C, N, CB):
    per_w = N // NW
    nchunk = per_w // CB
    ngrp = CB // L
    mesh = plsc.VectorSubcoreMesh(
        core_axis_name="c", subcore_axis_name="s",
        num_cores=NC, num_subcores=NS)

    @functools.partial(
        pl.kernel,
        out_type=jax.ShapeDtypeStruct((NW, L), jnp.float32),
        mesh=mesh,
        compiler_params=pltpu.CompilerParams(
            needs_layout_passes=False, use_tc_tiling_on_sc=False),
        scratch_types=[
            pltpu.VMEM((per_w,), jnp.int32),
            pltpu.VMEM((per_w,), jnp.int32),
            pltpu.VMEM((V,), jnp.float32),
            pltpu.VMEM((CB,), jnp.int32),
            pltpu.VMEM((CB,), jnp.int32),
            pltpu.VMEM((CB, L), jnp.float32),
            pltpu.VMEM((L,), jnp.float32),
            pltpu.SemaphoreType.DMA,
        ],
    )
    def sc_b(w16_hbm, x_hbm, y_hbm, lse_hbm, part_hbm,
             x_v, y_v, lse_v, ri_v, li_v, vals_v, acc_v, sem):
        wid = lax.axis_index("s") * NC + lax.axis_index("c")
        base = wid * per_w
        pltpu.sync_copy(x_hbm.at[pl.ds(base, per_w)], x_v)
        pltpu.sync_copy(y_hbm.at[pl.ds(base, per_w)], y_v)
        pltpu.sync_copy(lse_hbm, lse_v)
        acc_v[...] = jnp.zeros((L,), jnp.float32)

        def chunk(c, carry):
            for g in range(ngrp):
                off = c * CB + g * L
                fi = x_v[pl.ds(off, L)] * C + y_v[pl.ds(off, L)]
                ri_v[pl.ds(g * L, L)] = lax.shift_right_logical(fi, 4)
                li_v[pl.ds(g * L, L)] = lax.bitwise_and(fi, 15)
            pltpu.async_copy(w16_hbm.at[ri_v], vals_v, sem).wait()
            for g in range(ngrp):
                off = c * CB + g * L
                rid = lax.iota(jnp.int32, L) + g * L
                vals = plsc.load_gather(vals_v, [rid, li_v[pl.ds(g * L, L)]])
                lsev = plsc.load_gather(lse_v, [x_v[pl.ds(off, L)]])
                acc_v[...] = acc_v[...] + (lsev - vals)
            return carry

        lax.fori_loop(0, nchunk, chunk, 0)
        pltpu.sync_copy(acc_v, part_hbm.at[wid])

    return sc_b


def kernel(x, y_targets, W):
    B, T = x.shape
    V, C = W.shape
    N = B * T
    K = 32
    CB = 80

    xf = x.reshape(N)
    yf = y_targets.reshape(N)
    w16 = W.reshape(V * C // L, L)

    lse = pl.pallas_call(
        _lse_body,
        out_shape=jax.ShapeDtypeStruct((V,), jnp.float32),
    )(W)

    TB = 512
    wt_hi = W.T.astype(jnp.bfloat16)
    logits_t = pl.pallas_call(
        functools.partial(_logits_t_body, V=V),
        grid=(N // TB,),
        in_specs=[
            pl.BlockSpec((1, TB), lambda i: (0, i)),
            pl.BlockSpec((V, C), lambda i: (0, 0)),
        ],
        out_specs=pl.BlockSpec((C, TB), lambda i: (0, i)),
        out_shape=jax.ShapeDtypeStruct((C, N), jnp.float32),
    )(xf.reshape(1, N), wt_hi)
    logits = logits_t.T

    parts = _make_sc_loss(V, C, N, CB)(w16, xf, yf, lse)

    loss2d = pl.pallas_call(
        functools.partial(_mean_body, inv_n=1.0 / N),
        out_shape=jax.ShapeDtypeStruct((1, 1), jnp.float32),
        out_specs=pl.BlockSpec(memory_space=pltpu.SMEM),
    )(parts)
    return logits, loss2d[0, 0]

# --- scband reference (transcript-rebuilt; emitter-appended) ---
"""Pipeline reference for scband-bigram-model-55190329753891 (READ-ONLY COPY).

The authoritative reference and input builder live on the scoring server;
editing this copy changes nothing except your own understanding.
"""

import jax, jax.numpy as jnp
import numpy as np

VOCAB = 1000
B, T = 1024, 50

def setup_inputs(seed: int = 0) -> dict:
    key = jax.random.key(seed)
    k1, k2, k3 = jax.random.split(key, 3)
    x = jax.random.randint(k1, (B, T), 0, VOCAB, dtype=jnp.int32)
    y_targets = jax.random.randint(k2, (B, T), 0, VOCAB, dtype=jnp.int32)
    # learned embedding table: nn.Embedding(vocab_size, vocab_size), default init ~ N(0,1)
    W = jax.random.normal(k3, (VOCAB, VOCAB), dtype=jnp.float32)
    return {"x": x, "y_targets": y_targets, "W": W}

def reference(x, y_targets, W):
    # logits = embedding_layer(x) -> gather rows of W
    logits = jnp.take(W, x, axis=0)  # [B, T, C]
    Bs, Ts, C = logits.shape
    # targets provided: flatten and compute cross-entropy (mean reduction)
    logits_flat = logits.reshape(Bs * Ts, C)
    y_flat = y_targets.reshape(Bs * Ts)
    logp = jax.nn.log_softmax(logits_flat, axis=-1)
    nll = -jnp.take_along_axis(logp, y_flat[:, None], axis=1)[:, 0]
    loss = jnp.mean(nll)
    # torch module reassigns logits to the flattened view before returning
    return (logits_flat, loss)

if __name__ == "__main__":
    import jax
    _d = setup_inputs()
    print(jax.jit(kernel)(*tuple(_d.values())))

</pallas_src>

<mosaic_0001>
#map = affine_map<(d0, d1) -> (0, 0)>
#map1 = affine_map<(d0, d1) -> (0)>
module attributes {stable_mosaic.version = 14 : i64} {
  func.func @sc_b(%arg0: i32, %arg1: i32, %arg2: memref<62500x16xf32, #tpu.memory_space<hbm>>, %arg3: memref<51200xi32, #tpu.memory_space<hbm>>, %arg4: memref<51200xi32, #tpu.memory_space<hbm>>, %arg5: memref<1000xf32, #tpu.memory_space<hbm>>, %arg6: memref<32x16xf32, #tpu.memory_space<hbm>>, %arg7: memref<1600xi32, #tpu.memory_space<vmem>>, %arg8: memref<1600xi32, #tpu.memory_space<vmem>>, %arg9: memref<1000xf32, #tpu.memory_space<vmem>>, %arg10: memref<80xi32, #tpu.memory_space<vmem>>, %arg11: memref<80xi32, #tpu.memory_space<vmem>>, %arg12: memref<80x16xf32, #tpu.memory_space<vmem>>, %arg13: memref<16xf32, #tpu.memory_space<vmem>>, %arg14: memref<!tpu.dma_semaphore, #tpu.memory_space<semaphore_mem>>) attributes {dimension_semantics = [#tpu.dimension_semantics<core_parallel>, #tpu.dimension_semantics<subcore_parallel>], iteration_bounds = array<i64: 2, 16>, scalar_prefetch = 0 : i64, scratch_operands = 8 : i64, tpu.core_type = #tpu.core_type<sc_vector_subcore>, window_params = [{transform_indices = #map}, {transform_indices = #map1}, {transform_indices = #map1}, {transform_indices = #map1}, {transform_indices = #map}]} {
    %mul3A = arith.constant 2 : i32
    %mul3A_0 = arith.muli %arg1, %mul3A : i32
    %add3A = arith.addi %mul3A_0, %arg0 : i32
    %mul3A_1 = arith.constant 1600 : i32
    %mul3A_2 = arith.muli %add3A, %mul3A_1 : i32
    "tpu.region"() ({
      %run_scoped3A = tpu.sem_alloc : memref<!tpu.dma_semaphore, #tpu.memory_space<semaphore_mem>>
      %dma_start3A = tpu.memref_slice %arg3[%mul3A_2] : memref<51200xi32, #tpu.memory_space<hbm>> -> memref<1600xi32, #tpu.memory_space<hbm>>
      %dma_start3A_10 = tpu.memref_slice %arg3[%mul3A_2] : memref<51200xi32, #tpu.memory_space<hbm>> -> memref<1600xi32, #tpu.memory_space<hbm>>
      tpu.enqueue_dma source(%dma_start3A_10 : memref<1600xi32, #tpu.memory_space<hbm>>) target(%arg7 : memref<1600xi32, #tpu.memory_space<vmem>>) target_semaphore(%run_scoped3A : memref<!tpu.dma_semaphore, #tpu.memory_space<semaphore_mem>>)
      %dma_wait3A = tpu.memref_slice %arg3[%mul3A_2] : memref<51200xi32, #tpu.memory_space<hbm>> -> memref<1600xi32, #tpu.memory_space<hbm>>
      %dma_wait3A_11 = tpu.memref_slice %arg3[%mul3A_2] : memref<51200xi32, #tpu.memory_space<hbm>> -> memref<1600xi32, #tpu.memory_space<hbm>>
      tpu.wait_dma2 semaphore(%run_scoped3A : memref<!tpu.dma_semaphore, #tpu.memory_space<semaphore_mem>>) src(%dma_wait3A_11 : memref<1600xi32, #tpu.memory_space<hbm>>) dst(%arg7 : memref<1600xi32, #tpu.memory_space<vmem>>)
      tpu.yield
    }) : () -> ()
    "tpu.region"() ({
      %run_scoped3A = tpu.sem_alloc : memref<!tpu.dma_semaphore, #tpu.memory_space<semaphore_mem>>
      %dma_start3A = tpu.memref_slice %arg4[%mul3A_2] : memref<51200xi32, #tpu.memory_space<hbm>> -> memref<1600xi32, #tpu.memory_space<hbm>>
      %dma_start3A_10 = tpu.memref_slice %arg4[%mul3A_2] : memref<51200xi32, #tpu.memory_space<hbm>> -> memref<1600xi32, #tpu.memory_space<hbm>>
      tpu.enqueue_dma source(%dma_start3A_10 : memref<1600xi32, #tpu.memory_space<hbm>>) target(%arg8 : memref<1600xi32, #tpu.memory_space<vmem>>) target_semaphore(%run_scoped3A : memref<!tpu.dma_semaphore, #tpu.memory_space<semaphore_mem>>)
      %dma_wait3A = tpu.memref_slice %arg4[%mul3A_2] : memref<51200xi32, #tpu.memory_space<hbm>> -> memref<1600xi32, #tpu.memory_space<hbm>>
      %dma_wait3A_11 = tpu.memref_slice %arg4[%mul3A_2] : memref<51200xi32, #tpu.memory_space<hbm>> -> memref<1600xi32, #tpu.memory_space<hbm>>
      tpu.wait_dma2 semaphore(%run_scoped3A : memref<!tpu.dma_semaphore, #tpu.memory_space<semaphore_mem>>) src(%dma_wait3A_11 : memref<1600xi32, #tpu.memory_space<hbm>>) dst(%arg8 : memref<1600xi32, #tpu.memory_space<vmem>>)
      tpu.yield
    }) : () -> ()
    "tpu.region"() ({
      %run_scoped3A = tpu.sem_alloc : memref<!tpu.dma_semaphore, #tpu.memory_space<semaphore_mem>>
      tpu.enqueue_dma source(%arg5 : memref<1000xf32, #tpu.memory_space<hbm>>) target(%arg9 : memref<1000xf32, #tpu.memory_space<vmem>>) target_semaphore(%run_scoped3A : memref<!tpu.dma_semaphore, #tpu.memory_space<semaphore_mem>>)
      tpu.wait_dma2 semaphore(%run_scoped3A : memref<!tpu.dma_semaphore, #tpu.memory_space<semaphore_mem>>) src(%arg5 : memref<1000xf32, #tpu.memory_space<hbm>>) dst(%arg9 : memref<1000xf32, #tpu.memory_space<vmem>>)
      tpu.yield
    }) : () -> ()
    %broadcast_in_dim3A = arith.constant 0.000000e+00 : f32
    %broadcast_in_dim3A_3 = vector.broadcast %broadcast_in_dim3A : f32 to vector<16xf32>
    %swap3A = arith.constant 0 : index
    %swap3A_4 = tpu.vector_load %arg13[%swap3A] {strides = array<i32>} : memref<16xf32, #tpu.memory_space<vmem>>, vector<16xf32>,
    tpu.vector_store %arg13[%swap3A], %broadcast_in_dim3A_3 {strides = array<i32>} : memref<16xf32, #tpu.memory_space<vmem>>, vector<16xf32>,
    %scan3A = arith.constant 0 : i32
    %scan3A_5 = arith.constant 0 : i32
    %scan3A_6 = arith.constant 20 : i32
    %scan3A_7 = arith.addi %scan3A_5, %scan3A_6 : i32
    %scan3A_8 = arith.constant 1 : i32
    scf.for %scan3A_10 = %scan3A_5 to %scan3A_7 step %scan3A_8  : i32 {
      %mul3A_11 = arith.constant 80 : i32
      %mul3A_12 = arith.muli %scan3A_10, %mul3A_11 : i32
      %add3A_13 = arith.constant 0 : i32
      %add3A_14 = arith.addi %mul3A_12, %add3A_13 : i32
      %get3A = arith.index_cast %add3A_14 : i32 to index
      %get3A_15 = tpu.vector_load %arg7[%get3A] {strides = array<i32>} : memref<1600xi32, #tpu.memory_space<vmem>>, vector<16xi32>,
      %mul3A_16 = arith.constant 1000 : i32
      %mul3A_17 = vector.broadcast %mul3A_16 : i32 to vector<16xi32>
      %mul3A_18 = arith.muli %get3A_15, %mul3A_17 : vector<16xi32>
      %get3A_19 = arith.index_cast %add3A_14 : i32 to index
      %get3A_20 = tpu.vector_load %arg8[%get3A_19] {strides = array<i32>} : memref<1600xi32, #tpu.memory_space<vmem>>, vector<16xi32>,
      %add3A_21 = arith.addi %mul3A_18, %get3A_20 : vector<16xi32>
      %shift_right_logical3A = arith.constant 4 : i32
      %shift_right_logical3A_22 = vector.broadcast %shift_right_logical3A : i32 to vector<16xi32>
      %shift_right_logical3A_23 = arith.shrui %add3A_21, %shift_right_logical3A_22 : vector<16xi32>
      %swap3A_24 = arith.constant 0 : index
      %swap3A_25 = tpu.vector_load %arg10[%swap3A_24] {strides = array<i32>} : memref<80xi32, #tpu.memory_space<vmem>>, vector<16xi32>,
      tpu.vector_store %arg10[%swap3A_24], %shift_right_logical3A_23 {strides = array<i32>} : memref<80xi32, #tpu.memory_space<vmem>>, vector<16xi32>,
      %and3A = arith.constant 15 : i32
      %and3A_26 = vector.broadcast %and3A : i32 to vector<16xi32>
      %and3A_27 = arith.andi %add3A_21, %and3A_26 : vector<16xi32>
      %swap3A_28 = arith.constant 0 : index
      %swap3A_29 = tpu.vector_load %arg11[%swap3A_28] {strides = array<i32>} : memref<80xi32, #tpu.memory_space<vmem>>, vector<16xi32>,
      tpu.vector_store %arg11[%swap3A_28], %and3A_27 {strides = array<i32>} : memref<80xi32, #tpu.memory_space<vmem>>, vector<16xi32>,
      %mul3A_30 = arith.constant 80 : i32
      %mul3A_31 = arith.muli %scan3A_10, %mul3A_30 : i32
      %add3A_32 = arith.constant 16 : i32
      %add3A_33 = arith.addi %mul3A_31, %add3A_32 : i32
      %get3A_34 = arith.index_cast %add3A_33 : i32 to index
      %get3A_35 = tpu.vector_load %arg7[%get3A_34] {strides = array<i32>} : memref<1600xi32, #tpu.memory_space<vmem>>, vector<16xi32>,
      %mul3A_36 = arith.constant 1000 : i32
      %mul3A_37 = vector.broadcast %mul3A_36 : i32 to vector<16xi32>
      %mul3A_38 = arith.muli %get3A_35, %mul3A_37 : vector<16xi32>
      %get3A_39 = arith.index_cast %add3A_33 : i32 to index
      %get3A_40 = tpu.vector_load %arg8[%get3A_39] {strides = array<i32>} : memref<1600xi32, #tpu.memory_space<vmem>>, vector<16xi32>,
      %add3A_41 = arith.addi %mul3A_38, %get3A_40 : vector<16xi32>
      %shift_right_logical3A_42 = arith.constant 4 : i32
      %shift_right_logical3A_43 = vector.broadcast %shift_right_logical3A_42 : i32 to vector<16xi32>
      %shift_right_logical3A_44 = arith.shrui %add3A_41, %shift_right_logical3A_43 : vector<16xi32>
      %swap3A_45 = arith.constant 16 : index
      %swap3A_46 = tpu.vector_load %arg10[%swap3A_45] {strides = array<i32>} : memref<80xi32, #tpu.memory_space<vmem>>, vector<16xi32>,
      tpu.vector_store %arg10[%swap3A_45], %shift_right_logical3A_44 {strides = array<i32>} : memref<80xi32, #tpu.memory_space<vmem>>, vector<16xi32>,
      %and3A_47 = arith.constant 15 : i32
      %and3A_48 = vector.broadcast %and3A_47 : i32 to vector<16xi32>
      %and3A_49 = arith.andi %add3A_41, %and3A_48 : vector<16xi32>
      %swap3A_50 = arith.constant 16 : index
      %swap3A_51 = tpu.vector_load %arg11[%swap3A_50] {strides = array<i32>} : memref<80xi32, #tpu.memory_space<vmem>>, vector<16xi32>,
      tpu.vector_store %arg11[%swap3A_50], %and3A_49 {strides = array<i32>} : memref<80xi32, #tpu.memory_space<vmem>>, vector<16xi32>,
      %mul3A_52 = arith.constant 80 : i32
      %mul3A_53 = arith.muli %scan3A_10, %mul3A_52 : i32
      %add3A_54 = arith.constant 32 : i32
      %add3A_55 = arith.addi %mul3A_53, %add3A_54 : i32
      %get3A_56 = arith.index_cast %add3A_55 : i32 to index
      %get3A_57 = tpu.vector_load %arg7[%get3A_56] {strides = array<i32>} : memref<1600xi32, #tpu.memory_space<vmem>>, vector<16xi32>,
      %mul3A_58 = arith.constant 1000 : i32
      %mul3A_59 = vector.broadcast %mul3A_58 : i32 to vector<16xi32>
      %mul3A_60 = arith.muli %get3A_57, %mul3A_59 : vector<16xi32>
      %get3A_61 = arith.index_cast %add3A_55 : i32 to index
      %get3A_62 = tpu.vector_load %arg8[%get3A_61] {strides = array<i32>} : memref<1600xi32, #tpu.memory_space<vmem>>, vector<16xi32>,
      %add3A_63 = arith.addi %mul3A_60, %get3A_62 : vector<16xi32>
      %shift_right_logical3A_64 = arith.constant 4 : i32
      %shift_right_logical3A_65 = vector.broadcast %shift_right_logical3A_64 : i32 to vector<16xi32>
      %shift_right_logical3A_66 = arith.shrui %add3A_63, %shift_right_logical3A_65 : vector<16xi32>
      %swap3A_67 = arith.constant 32 : index
      %swap3A_68 = tpu.vector_load %arg10[%swap3A_67] {strides = array<i32>} : memref<80xi32, #tpu.memory_space<vmem>>, vector<16xi32>,
      tpu.vector_store %arg10[%swap3A_67], %shift_right_logical3A_66 {strides = array<i32>} : memref<80xi32, #tpu.memory_space<vmem>>, vector<16xi32>,
      %and3A_69 = arith.constant 15 : i32
      %and3A_70 = vector.broadcast %and3A_69 : i32 to vector<16xi32>
      %and3A_71 = arith.andi %add3A_63, %and3A_70 : vector<16xi32>
      %swap3A_72 = arith.constant 32 : index
      %swap3A_73 = tpu.vector_load %arg11[%swap3A_72] {strides = array<i32>} : memref<80xi32, #tpu.memory_space<vmem>>, vector<16xi32>,
      tpu.vector_store %arg11[%swap3A_72], %and3A_71 {strides = array<i32>} : memref<80xi32, #tpu.memory_space<vmem>>, vector<16xi32>,
      %mul3A_74 = arith.constant 80 : i32
      %mul3A_75 = arith.muli %scan3A_10, %mul3A_74 : i32
      %add3A_76 = arith.constant 48 : i32
      %add3A_77 = arith.addi %mul3A_75, %add3A_76 : i32
      %get3A_78 = arith.index_cast %add3A_77 : i32 to index
      %get3A_79 = tpu.vector_load %arg7[%get3A_78] {strides = array<i32>} : memref<1600xi32, #tpu.memory_space<vmem>>, vector<16xi32>,
      %mul3A_80 = arith.constant 1000 : i32
      %mul3A_81 = vector.broadcast %mul3A_80 : i32 to vector<16xi32>
      %mul3A_82 = arith.muli %get3A_79, %mul3A_81 : vector<16xi32>
      %get3A_83 = arith.index_cast %add3A_77 : i32 to index
      %get3A_84 = tpu.vector_load %arg8[%get3A_83] {strides = array<i32>} : memref<1600xi32, #tpu.memory_space<vmem>>, vector<16xi32>,
      %add3A_85 = arith.addi %mul3A_82, %get3A_84 : vector<16xi32>
      %shift_right_logical3A_86 = arith.constant 4 : i32
      %shift_right_logical3A_87 = vector.broadcast %shift_right_logical3A_86 : i32 to vector<16xi32>
      %shift_right_logical3A_88 = arith.shrui %add3A_85, %shift_right_logical3A_87 : vector<16xi32>
      %swap3A_89 = arith.constant 48 : index
      %swap3A_90 = tpu.vector_load %arg10[%swap3A_89] {strides = array<i32>} : memref<80xi32, #tpu.memory_space<vmem>>, vector<16xi32>,
      tpu.vector_store %arg10[%swap3A_89], %shift_right_logical3A_88 {strides = array<i32>} : memref<80xi32, #tpu.memory_space<vmem>>, vector<16xi32>,
      %and3A_91 = arith.constant 15 : i32
      %and3A_92 = vector.broadcast %and3A_91 : i32 to vector<16xi32>
      %and3A_93 = arith.andi %add3A_85, %and3A_92 : vector<16xi32>
      %swap3A_94 = arith.constant 48 : index
      %swap3A_95 = tpu.vector_load %arg11[%swap3A_94] {strides = array<i32>} : memref<80xi32, #tpu.memory_space<vmem>>, vector<16xi32>,
      tpu.vector_store %arg11[%swap3A_94], %and3A_93 {strides = array<i32>} : memref<80xi32, #tpu.memory_space<vmem>>, vector<16xi32>,
      %mul3A_96 = arith.constant 80 : i32
      %mul3A_97 = arith.muli %scan3A_10, %mul3A_96 : i32
      %add3A_98 = arith.constant 64 : i32
      %add3A_99 = arith.addi %mul3A_97, %add3A_98 : i32
      %get3A_100 = arith.index_cast %add3A_99 : i32 to index
      %get3A_101 = tpu.vector_load %arg7[%get3A_100] {strides = array<i32>} : memref<1600xi32, #tpu.memory_space<vmem>>, vector<16xi32>,
      %mul3A_102 = arith.constant 1000 : i32
      %mul3A_103 = vector.broadcast %mul3A_102 : i32 to vector<16xi32>
      %mul3A_104 = arith.muli %get3A_101, %mul3A_103 : vector<16xi32>
      %get3A_105 = arith.index_cast %add3A_99 : i32 to index
      %get3A_106 = tpu.vector_load %arg8[%get3A_105] {strides = array<i32>} : memref<1600xi32, #tpu.memory_space<vmem>>, vector<16xi32>,
      %add3A_107 = arith.addi %mul3A_104, %get3A_106 : vector<16xi32>
      %shift_right_logical3A_108 = arith.constant 4 : i32
      %shift_right_logical3A_109 = vector.broadcast %shift_right_logical3A_108 : i32 to vector<16xi32>
      %shift_right_logical3A_110 = arith.shrui %add3A_107, %shift_right_logical3A_109 : vector<16xi32>
      %swap3A_111 = arith.constant 64 : index
      %swap3A_112 = tpu.vector_load %arg10[%swap3A_111] {strides = array<i32>} : memref<80xi32, #tpu.memory_space<vmem>>, vector<16xi32>,
      tpu.vector_store %arg10[%swap3A_111], %shift_right_logical3A_110 {strides = array<i32>} : memref<80xi32, #tpu.memory_space<vmem>>, vector<16xi32>,
      %and3A_113 = arith.constant 15 : i32
      %and3A_114 = vector.broadcast %and3A_113 : i32 to vector<16xi32>
      %and3A_115 = arith.andi %add3A_107, %and3A_114 : vector<16xi32>
      %swap3A_116 = arith.constant 64 : index
      %swap3A_117 = tpu.vector_load %arg11[%swap3A_116] {strides = array<i32>} : memref<80xi32, #tpu.memory_space<vmem>>, vector<16xi32>,
      tpu.vector_store %arg11[%swap3A_116], %and3A_115 {strides = array<i32>} : memref<80xi32, #tpu.memory_space<vmem>>, vector<16xi32>,
      %dma_start3A = arith.constant 0 : i32
      %dma_start3A_118 = arith.constant 0 : i32
      %dma_start3A_119 = tpu.memref_slice %arg2[%dma_start3A, %dma_start3A_118] : memref<62500x16xf32, #tpu.memory_space<hbm>> -> memref<62500x16xf32, #tpu.memory_space<hbm>>
      tpu.enqueue_indirect_dma source(%dma_start3A_119 : memref<62500x16xf32, #tpu.memory_space<hbm>>) target(%arg12 : memref<80x16xf32, #tpu.memory_space<vmem>>) offsets(%arg10 : memref<80xi32, #tpu.memory_space<vmem>>) semaphore(%arg14 : memref<!tpu.dma_semaphore, #tpu.memory_space<semaphore_mem>>)
      %dma_wait3A = arith.constant 0 : i32
      %dma_wait3A_120 = arith.constant 0 : i32
      %dma_wait3A_121 = tpu.memref_slice %arg2[%dma_wait3A, %dma_wait3A_120] : memref<62500x16xf32, #tpu.memory_space<hbm>> -> memref<62500x16xf32, #tpu.memory_space<hbm>>
      tpu.wait_indirect_dma semaphore(%arg14 : memref<!tpu.dma_semaphore, #tpu.memory_space<semaphore_mem>>) src(%dma_wait3A_121 : memref<62500x16xf32, #tpu.memory_space<hbm>>) dst(%arg12 : memref<80x16xf32, #tpu.memory_space<vmem>>)
      %mul3A_122 = arith.constant 80 : i32
      %mul3A_123 = arith.muli %scan3A_10, %mul3A_122 : i32
      %add3A_124 = arith.constant 0 : i32
      %add3A_125 = arith.addi %mul3A_123, %add3A_124 : i32
      %iota3A = tpu.iota {dimensions = array<i32: 0>} : vector<16xi32>
      %add3A_126 = arith.constant 0 : i32
      %add3A_127 = vector.broadcast %add3A_126 : i32 to vector<16xi32>
      %add3A_128 = arith.addi %iota3A, %add3A_127 : vector<16xi32>
      %get3A_129 = arith.constant 0 : index
      %get3A_130 = tpu.vector_load %arg11[%get3A_129] {strides = array<i32>} : memref<80xi32, #tpu.memory_space<vmem>>, vector<16xi32>,
      %gather3A = tpu.vector_load_idx %arg12[%add3A_128, %get3A_130] : memref<80x16xf32, #tpu.memory_space<vmem>>[vector<16xi32>, vector<16xi32>], vector<16xf32>,
      %get3A_131 = arith.index_cast %add3A_125 : i32 to index
      %get3A_132 = tpu.vector_load %arg7[%get3A_131] {strides = array<i32>} : memref<1600xi32, #tpu.memory_space<vmem>>, vector<16xi32>,
      %gather3A_133 = tpu.vector_load_idx %arg9[%get3A_132] : memref<1000xf32, #tpu.memory_space<vmem>>[vector<16xi32>], vector<16xf32>,
      %get3A_134 = arith.constant 0 : index
      %get3A_135 = tpu.vector_load %arg13[%get3A_134] {strides = array<i32>} : memref<16xf32, #tpu.memory_space<vmem>>, vector<16xf32>,
      %sub3A = arith.subf %gather3A_133, %gather3A : vector<16xf32>
      %add3A_136 = arith.addf %get3A_135, %sub3A : vector<16xf32>
      %swap3A_137 = arith.constant 0 : index
      %swap3A_138 = tpu.vector_load %arg13[%swap3A_137] {strides = array<i32>} : memref<16xf32, #tpu.memory_space<vmem>>, vector<16xf32>,
      tpu.vector_store %arg13[%swap3A_137], %add3A_136 {strides = array<i32>} : memref<16xf32, #tpu.memory_space<vmem>>, vector<16xf32>,
      %mul3A_139 = arith.constant 80 : i32
      %mul3A_140 = arith.muli %scan3A_10, %mul3A_139 : i32
      %add3A_141 = arith.constant 16 : i32
      %add3A_142 = arith.addi %mul3A_140, %add3A_141 : i32
      %iota3A_143 = tpu.iota {dimensions = array<i32: 0>} : vector<16xi32>
      %add3A_144 = arith.constant 16 : i32
      %add3A_145 = vector.broadcast %add3A_144 : i32 to vector<16xi32>
      %add3A_146 = arith.addi %iota3A_143, %add3A_145 : vector<16xi32>
      %get3A_147 = arith.constant 16 : index
      %get3A_148 = tpu.vector_load %arg11[%get3A_147] {strides = array<i32>} : memref<80xi32, #tpu.memory_space<vmem>>, vector<16xi32>,
      %gather3A_149 = tpu.vector_load_idx %arg12[%add3A_146, %get3A_148] : memref<80x16xf32, #tpu.memory_space<vmem>>[vector<16xi32>, vector<16xi32>], vector<16xf32>,
      %get3A_150 = arith.index_cast %add3A_142 : i32 to index
      %get3A_151 = tpu.vector_load %arg7[%get3A_150] {strides = array<i32>} : memref<1600xi32, #tpu.memory_space<vmem>>, vector<16xi32>,
      %gather3A_152 = tpu.vector_load_idx %arg9[%get3A_151] : memref<1000xf32, #tpu.memory_space<vmem>>[vector<16xi32>], vector<16xf32>,
      %get3A_153 = arith.constant 0 : index
      %get3A_154 = tpu.vector_load %arg13[%get3A_153] {strides = array<i32>} : memref<16xf32, #tpu.memory_space<vmem>>, vector<16xf32>,
      %sub3A_155 = arith.subf %gather3A_152, %gather3A_149 : vector<16xf32>
      %add3A_156 = arith.addf %get3A_154, %sub3A_155 : vector<16xf32>
      %swap3A_157 = arith.constant 0 : index
      %swap3A_158 = tpu.vector_load %arg13[%swap3A_157] {strides = array<i32>} : memref<16xf32, #tpu.memory_space<vmem>>, vector<16xf32>,
      tpu.vector_store %arg13[%swap3A_157], %add3A_156 {strides = array<i32>} : memref<16xf32, #tpu.memory_space<vmem>>, vector<16xf32>,
      %mul3A_159 = arith.constant 80 : i32
      %mul3A_160 = arith.muli %scan3A_10, %mul3A_159 : i32
      %add3A_161 = arith.constant 32 : i32
      %add3A_162 = arith.addi %mul3A_160, %add3A_161 : i32
      %iota3A_163 = tpu.iota {dimensions = array<i32: 0>} : vector<16xi32>
      %add3A_164 = arith.constant 32 : i32
      %add3A_165 = vector.broadcast %add3A_164 : i32 to vector<16xi32>
      %add3A_166 = arith.addi %iota3A_163, %add3A_165 : vector<16xi32>
      %get3A_167 = arith.constant 32 : index
      %get3A_168 = tpu.vector_load %arg11[%get3A_167] {strides = array<i32>} : memref<80xi32, #tpu.memory_space<vmem>>, vector<16xi32>,
      %gather3A_169 = tpu.vector_load_idx %arg12[%add3A_166, %get3A_168] : memref<80x16xf32, #tpu.memory_space<vmem>>[vector<16xi32>, vector<16xi32>], vector<16xf32>,
      %get3A_170 = arith.index_cast %add3A_162 : i32 to index
      %get3A_171 = tpu.vector_load %arg7[%get3A_170] {strides = array<i32>} : memref<1600xi32, #tpu.memory_space<vmem>>, vector<16xi32>,
      %gather3A_172 = tpu.vector_load_idx %arg9[%get3A_171] : memref<1000xf32, #tpu.memory_space<vmem>>[vector<16xi32>], vector<16xf32>,
      %get3A_173 = arith.constant 0 : index
      %get3A_174 = tpu.vector_load %arg13[%get3A_173] {strides = array<i32>} : memref<16xf32, #tpu.memory_space<vmem>>, vector<16xf32>,
      %sub3A_175 = arith.subf %gather3A_172, %gather3A_169 : vector<16xf32>
      %add3A_176 = arith.addf %get3A_174, %sub3A_175 : vector<16xf32>
      %swap3A_177 = arith.constant 0 : index
      %swap3A_178 = tpu.vector_load %arg13[%swap3A_177] {strides = array<i32>} : memref<16xf32, #tpu.memory_space<vmem>>, vector<16xf32>,
      tpu.vector_store %arg13[%swap3A_177], %add3A_176 {strides = array<i32>} : memref<16xf32, #tpu.memory_space<vmem>>, vector<16xf32>,
      %mul3A_179 = arith.constant 80 : i32
      %mul3A_180 = arith.muli %scan3A_10, %mul3A_179 : i32
      %add3A_181 = arith.constant 48 : i32
      %add3A_182 = arith.addi %mul3A_180, %add3A_181 : i32
      %iota3A_183 = tpu.iota {dimensions = array<i32: 0>} : vector<16xi32>
      %add3A_184 = arith.constant 48 : i32
      %add3A_185 = vector.broadcast %add3A_184 : i32 to vector<16xi32>
      %add3A_186 = arith.addi %iota3A_183, %add3A_185 : vector<16xi32>
      %get3A_187 = arith.constant 48 : index
      %get3A_188 = tpu.vector_load %arg11[%get3A_187] {strides = array<i32>} : memref<80xi32, #tpu.memory_space<vmem>>, vector<16xi32>,
      %gather3A_189 = tpu.vector_load_idx %arg12[%add3A_186, %get3A_188] : memref<80x16xf32, #tpu.memory_space<vmem>>[vector<16xi32>, vector<16xi32>], vector<16xf32>,
      %get3A_190 = arith.index_cast %add3A_182 : i32 to index
      %get3A_191 = tpu.vector_load %arg7[%get3A_190] {strides = array<i32>} : memref<1600xi32, #tpu.memory_space<vmem>>, vector<16xi32>,
      %gather3A_192 = tpu.vector_load_idx %arg9[%get3A_191] : memref<1000xf32, #tpu.memory_space<vmem>>[vector<16xi32>], vector<16xf32>,
      %get3A_193 = arith.constant 0 : index
      %get3A_194 = tpu.vector_load %arg13[%get3A_193] {strides = array<i32>} : memref<16xf32, #tpu.memory_space<vmem>>, vector<16xf32>,
      %sub3A_195 = arith.subf %gather3A_192, %gather3A_189 : vector<16xf32>
      %add3A_196 = arith.addf %get3A_194, %sub3A_195 : vector<16xf32>
      %swap3A_197 = arith.constant 0 : index
      %swap3A_198 = tpu.vector_load %arg13[%swap3A_197] {strides = array<i32>} : memref<16xf32, #tpu.memory_space<vmem>>, vector<16xf32>,
      tpu.vector_store %arg13[%swap3A_197], %add3A_196 {strides = array<i32>} : memref<16xf32, #tpu.memory_space<vmem>>, vector<16xf32>,
      %mul3A_199 = arith.constant 80 : i32
      %mul3A_200 = arith.muli %scan3A_10, %mul3A_199 : i32
      %add3A_201 = arith.constant 64 : i32
      %add3A_202 = arith.addi %mul3A_200, %add3A_201 : i32
      %iota3A_203 = tpu.iota {dimensions = array<i32: 0>} : vector<16xi32>
      %add3A_204 = arith.constant 64 : i32
      %add3A_205 = vector.broadcast %add3A_204 : i32 to vector<16xi32>
      %add3A_206 = arith.addi %iota3A_203, %add3A_205 : vector<16xi32>
      %get3A_207 = arith.constant 64 : index
      %get3A_208 = tpu.vector_load %arg11[%get3A_207] {strides = array<i32>} : memref<80xi32, #tpu.memory_space<vmem>>, vector<16xi32>,
      %gather3A_209 = tpu.vector_load_idx %arg12[%add3A_206, %get3A_208] : memref<80x16xf32, #tpu.memory_space<vmem>>[vector<16xi32>, vector<16xi32>], vector<16xf32>,
      %get3A_210 = arith.index_cast %add3A_202 : i32 to index
      %get3A_211 = tpu.vector_load %arg7[%get3A_210] {strides = array<i32>} : memref<1600xi32, #tpu.memory_space<vmem>>, vector<16xi32>,
      %gather3A_212 = tpu.vector_load_idx %arg9[%get3A_211] : memref<1000xf32, #tpu.memory_space<vmem>>[vector<16xi32>], vector<16xf32>,
      %get3A_213 = arith.constant 0 : index
      %get3A_214 = tpu.vector_load %arg13[%get3A_213] {strides = array<i32>} : memref<16xf32, #tpu.memory_space<vmem>>, vector<16xf32>,
      %sub3A_215 = arith.subf %gather3A_212, %gather3A_209 : vector<16xf32>
      %add3A_216 = arith.addf %get3A_214, %sub3A_215 : vector<16xf32>
      %swap3A_217 = arith.constant 0 : index
      %swap3A_218 = tpu.vector_load %arg13[%swap3A_217] {strides = array<i32>} : memref<16xf32, #tpu.memory_space<vmem>>, vector<16xf32>,
      tpu.vector_store %arg13[%swap3A_217], %add3A_216 {strides = array<i32>} : memref<16xf32, #tpu.memory_space<vmem>>, vector<16xf32>,
    }
    %scan3A_9 = arith.constant 20 : i32
    "tpu.region"() ({
      %run_scoped3A = tpu.sem_alloc : memref<!tpu.dma_semaphore, #tpu.memory_space<semaphore_mem>>
      %dma_start3A = arith.constant 0 : i32
      %dma_start3A_10 = tpu.memref_slice %arg6[%add3A, %dma_start3A] : memref<32x16xf32, #tpu.memory_space<hbm>> -> memref<1x16xf32, #tpu.memory_space<hbm>>
      %dma_start3A_11 = tpu.memref_squeeze %dma_start3A_10 : memref<1x16xf32, #tpu.memory_space<hbm>> -> memref<16xf32, #tpu.memory_space<hbm>>
      %dma_start3A_12 = arith.constant 0 : i32
      %dma_start3A_13 = tpu.memref_slice %arg6[%add3A, %dma_start3A_12] : memref<32x16xf32, #tpu.memory_space<hbm>> -> memref<1x16xf32, #tpu.memory_space<hbm>>
      %dma_start3A_14 = tpu.memref_squeeze %dma_start3A_13 : memref<1x16xf32, #tpu.memory_space<hbm>> -> memref<16xf32, #tpu.memory_space<hbm>>
      tpu.enqueue_dma source(%arg13 : memref<16xf32, #tpu.memory_space<vmem>>) target(%dma_start3A_14 : memref<16xf32, #tpu.memory_space<hbm>>) target_semaphore(%run_scoped3A : memref<!tpu.dma_semaphore, #tpu.memory_space<semaphore_mem>>)
      %dma_wait3A = arith.constant 0 : i32
      %dma_wait3A_15 = tpu.memref_slice %arg6[%add3A, %dma_wait3A] : memref<32x16xf32, #tpu.memory_space<hbm>> -> memref<1x16xf32, #tpu.memory_space<hbm>>
      %dma_wait3A_16 = tpu.memref_squeeze %dma_wait3A_15 : memref<1x16xf32, #tpu.memory_space<hbm>> -> memref<16xf32, #tpu.memory_space<hbm>>
      %dma_wait3A_17 = arith.constant 0 : i32
      %dma_wait3A_18 = tpu.memref_slice %arg6[%add3A, %dma_wait3A_17] : memref<32x16xf32, #tpu.memory_space<hbm>> -> memref<1x16xf32, #tpu.memory_space<hbm>>
      %dma_wait3A_19 = tpu.memref_squeeze %dma_wait3A_18 : memref<1x16xf32, #tpu.memory_space<hbm>> -> memref<16xf32, #tpu.memory_space<hbm>>
      tpu.wait_dma2 semaphore(%run_scoped3A : memref<!tpu.dma_semaphore, #tpu.memory_space<semaphore_mem>>) src(%arg13 : memref<16xf32, #tpu.memory_space<vmem>>) dst(%dma_wait3A_19 : memref<16xf32, #tpu.memory_space<hbm>>)
      tpu.yield
    }) : () -> ()
    return
  }
}

module attributes {stable_mosaic.version = 14 : i64} {
  func.func @_lse_body(%arg0: memref<1000x1000xf32, #tpu.memory_space<vmem>>, %arg1: memref<1000xf32, #tpu.memory_space<vmem>>) attributes {dimension_semantics = [], scalar_prefetch = 0 : i64, scratch_operands = 0 : i64, tpu.core_type = #tpu.core_type<tc>} {
    %get3A = arith.constant 0 : index
    %get3A_0 = arith.constant 0 : index
    %get3A_1 = vector.load %arg0[%get3A, %get3A_0] : memref<1000x1000xf32, #tpu.memory_space<vmem>>, vector<1000x1000xf32>
    %reduce_max3A = arith.constant dense<0xFF800000> : vector<1000xf32>
    %reduce_max3A_2 = vector.multi_reduction <maximumf>, %get3A_1, %reduce_max3A [1] : vector<1000x1000xf32> to vector<1000xf32>
    %broadcast_in_dim3A = vector.shape_cast %reduce_max3A_2 : vector<1000xf32> to vector<1000x1xf32>
    %sub3A = vector.broadcast %broadcast_in_dim3A : vector<1000x1xf32> to vector<1000x1000xf32>
    %sub3A_3 = arith.subf %get3A_1, %sub3A : vector<1000x1000xf32>
    %exp3A = math.exp %sub3A_3 : vector<1000x1000xf32>
    %reduce_sum3A = arith.constant dense<0.000000e+00> : vector<1000xf32>
    %reduce_sum3A_4 = vector.multi_reduction <add>, %exp3A, %reduce_sum3A [1] : vector<1000x1000xf32> to vector<1000xf32>
    %log3A = math.log %reduce_sum3A_4 : vector<1000xf32>
    %add3A = arith.addf %reduce_max3A_2, %log3A : vector<1000xf32>
    %swap3A = arith.constant 0 : index
    %swap3A_5 = vector.load %arg1[%swap3A] : memref<1000xf32, #tpu.memory_space<vmem>>, vector<1000xf32>
    tpu.vector_store %arg1[%swap3A], %add3A {strides = array<i32>} : memref<1000xf32, #tpu.memory_space<vmem>>, vector<1000xf32>,
    return
  }
}

module attributes {stable_mosaic.version = 14 : i64} {
  func.func @_logits_t_body(%arg0: i32, %arg1: memref<1x512xi32, #tpu.memory_space<vmem>>, %arg2: memref<1000x1000xbf16, #tpu.memory_space<vmem>>, %arg3: memref<1000x512xf32, #tpu.memory_space<vmem>>) attributes {dimension_semantics = [#tpu.dimension_semantics<arbitrary>], iteration_bounds = array<i64: 100>, scalar_prefetch = 0 : i64, scratch_operands = 0 : i64, tpu.core_type = #tpu.core_type<tc>, window_params = [{transform_indices = @transform_0, window_bounds = array<i64: 1, 512>}, {pipeline_mode = #tpu.pipeline_mode<synchronous>, transform_indices = @transform_1, window_bounds = array<i64: 1000, 1000>}, {transform_indices = @transform_2, window_bounds = array<i64: 1000, 512>}]} {
    %get3A = arith.constant 0 : index
    %get3A_0 = arith.constant 0 : index
    %get3A_1 = vector.load %arg1[%get3A, %get3A_0] : memref<1x512xi32, #tpu.memory_space<vmem>>, vector<1x512xi32>
    %get3A_2 = vector.shape_cast %get3A_1 : vector<1x512xi32> to vector<512xi32>
    %iota3A = tpu.iota {dimensions = array<i32: 0>} : vector<1000x512xi32>
    %broadcast_in_dim3A = vector.shape_cast %get3A_2 : vector<512xi32> to vector<1x512xi32>
    %eq3A = vector.broadcast %broadcast_in_dim3A : vector<1x512xi32> to vector<1000x512xi32>
    %eq3A_3 = arith.cmpi eq, %iota3A, %eq3A : vector<1000x512xi32>
    %convert_element_type3A = arith.extui %eq3A_3 : vector<1000x512xi1> to vector<1000x512xi32>
    %convert_element_type3A_4 = arith.sitofp %convert_element_type3A : vector<1000x512xi32> to vector<1000x512xf32>
    %convert_element_type3A_5 = arith.truncf %convert_element_type3A_4 : vector<1000x512xf32> to vector<1000x512xbf16>
    %get3A_6 = arith.constant 0 : index
    %get3A_7 = arith.constant 0 : index
    %get3A_8 = vector.load %arg2[%get3A_6, %get3A_7] : memref<1000x1000xbf16, #tpu.memory_space<vmem>>, vector<1000x1000xbf16>
    %dot_general3A = arith.constant dense<0.000000e+00> : vector<1000x512xf32>
    %dot_general3A_9 = tpu.matmul %get3A_8, %convert_element_type3A_5, %dot_general3A {dimension_numbers = #tpu.dot_dimension_numbers<[1], [0], [0], [1], [0, 0, 1, 1], [], []>, transpose_lhs_hint = false} : vector<1000x1000xbf16>, vector<1000x512xbf16>, vector<1000x512xf32> -> vector<1000x512xf32>
    %swap3A = arith.constant 0 : index
    %swap3A_10 = arith.constant 0 : index
    %swap3A_11 = vector.load %arg3[%swap3A, %swap3A_10] : memref<1000x512xf32, #tpu.memory_space<vmem>>, vector<1000x512xf32>
    tpu.vector_store %arg3[%swap3A, %swap3A_10], %dot_general3A_9 {strides = array<i32>} : memref<1000x512xf32, #tpu.memory_space<vmem>>, vector<1000x512xf32>,
    return
  }
  func.func @transform_0(%arg0: i32) -> (i32, i32) {
    %c0_i32 = arith.constant 0 : i32
    %c0_i32_0 = arith.constant 0 : i32
    return %c0_i32, %arg0 : i32, i32
  }
  func.func @transform_1(%arg0: i32) -> (i32, i32) {
    %c0_i32 = arith.constant 0 : i32
    %c0_i32_0 = arith.constant 0 : i32
    %c0_i32_1 = arith.constant 0 : i32
    return %c0_i32, %c0_i32_0 : i32, i32
  }
  func.func @transform_2(%arg0: i32) -> (i32, i32) {
    %c0_i32 = arith.constant 0 : i32
    %c0_i32_0 = arith.constant 0 : i32
    return %c0_i32, %arg0 : i32, i32
  }
}

module attributes {stable_mosaic.version = 14 : i64} {
  func.func @_mean_body(%arg0: memref<32x16xf32, #tpu.memory_space<vmem>>, %arg1: memref<1x1xf32, #tpu.memory_space<smem>>) attributes {dimension_semantics = [], scalar_prefetch = 0 : i64, scratch_operands = 0 : i64, tpu.core_type = #tpu.core_type<tc>} {
    %get3A = arith.constant 0 : index
    %get3A_0 = arith.constant 0 : index
    %get3A_1 = vector.load %arg0[%get3A, %get3A_0] : memref<32x16xf32, #tpu.memory_space<vmem>>, vector<32x16xf32>
    %reduce_sum3A = vector.shape_cast %get3A_1 : vector<32x16xf32> to vector<1x32x16xf32>
    %reduce_sum3A_2 = arith.constant dense<0.000000e+00> : vector<1xf32>
    %reduce_sum3A_3 = vector.multi_reduction <add>, %reduce_sum3A, %reduce_sum3A_2 [1, 2] : vector<1x32x16xf32> to vector<1xf32>
    %reduce_sum3A_4 = vector.shape_cast %reduce_sum3A_3 : vector<1xf32> to vector<1x1x1xf32>
    %reduce_sum3A_5 = vector.extract %reduce_sum3A_4[0, 0, 0] : f32 from vector<1x1x1xf32>
    %mul3A = arith.constant 1.95312496E-5 : f32
    %mul3A_6 = arith.mulf %reduce_sum3A_5, %mul3A : f32
    %swap3A = arith.constant 0 : index
    %swap3A_7 = arith.constant 0 : index
    %swap3A_8 = memref.load %arg1[%swap3A, %swap3A_7] : memref<1x1xf32, #tpu.memory_space<smem>>
    memref.store %mul3A_6, %arg1[%swap3A, %swap3A_7] : memref<1x1xf32, #tpu.memory_space<smem>>
    return
  }
}

</mosaic_0001>

<sc_bundles>
// kernel: kernel.6.cloned.1.call-start
scs
__scs_entry_jumppad:
0x0: {  	(pc) =	sbr.rel $0x88, $3  }
0x1: {  	(tag) =	ssettag $0x0;
	lr =	simm.s32 $0x1  }
0x2: {  	[smem:$0x3F9E] =	sst lr;
	_ =	strace $0xD0000000  }
0x3: {  	_ = 	snop  }
0x4: {  	_ = 	snop  }
0x5: {  	_ = 	snop  }
0x6: {  	_ = 	snop  }
0x7: {  	_ = 	snop  }
__scs_overlays_trampoline_lowered:
0x8: {  	[smem:$0x3FAD] =	sst s0  }
0x9: {  	[smem:$0x3FAE] =	sst s1  }
0xa: {  	[smem:$0x3FAF] =	sst s2  }
0xb: {  	[smem:$0x3FB0] =	sst s3  }
0xc: {  	[smem:$0x3FB1] =	sst s4  }
0xd: {  	[smem:$0x3FB2] =	sst s5  }
0xe: {  	[smem:$0x3FB3] =	sst s6  }
0xf: {  	[smem:$0x3FB4] =	sst s7  }
0x10: {  	[smem:$0x3FB5] =	sst s8  }
0x11: {  	[smem:$0x3FB6] =	sst s9;
	s0 =	simm.s32 @!p0 $0x0  }
0x12: {  	s1 =	sld [smem:$0x3F9C];
	s0 =	simm.s32 @p0 $0x1  }
0x13: {  	[smem:$0x3FB7] =	sst s0;
	s0 =	simm.s32 @!p1 $0x0  }
0x14: {  	s2 =	sld [smem:$0x3F9B];
	s0 =	simm.s32 @p1 $0x1  }
0x15: {  	[smem:$0x3FB8] =	sst s0;
	s0 =	simm.s32 @!p2 $0x0  }
0x16: {  	s3 =	sld [smem:$0x3FDB];
	s0 =	simm.s32 @p2 $0x1  }
0x17: {  	s4 =	simm.s32 $0x1BF5;
	[smem:$0x3FBA] =	sst s0  }
0x18: {  	s0 =	sld [smem:$0x3F9D];
	_ =	swait.ge [sflag:s4], $0x0  }
0x19: {  	s7 =	sld [smem:$0x3F9E]  }
0x1a: {  	s8 =	sadd.s32 $0xFFFFE003, lr  }
0x1b: {  	s9 =	sadd.s32 $0xFFFFFEF7, lr;
	s5 =	simm.s32 $0xFFFFFFFF;
	p2 =	slt.u32 s8, $0xFFFFF086  }
0x1c: {  	p1 =	slt.u32 s9, $0xF7A;
	s5 =	simm.s32 @!p2 $0x0  }
0x1d: {  	s5 =	simm.s32 @p1 $0x1;
	p0 =	seq.s32 s7, s2  }
0x1e: {  	s7 =	smul.u32 @!p0 $0xF7A, s2;
	p2 =	seq.s32 @!p0 s5, $0x0  }
0x1f: {  	s9 =	smul.u32 $0xF7A, s1;
	s8 =	simm.s32 @!p0 $0x1BF5;
	p2 =	por !p2, p0  }
0x20: {  	[sflag:s8] =	ssyncset.s32 @!p0 $0xFFFFF086;
	s6 =	sadd.s32 @!p0 s3, s7;
	s7 =	simm.s32 @!p0 $0x108  }
0x21: {  	s3 =	sadd.s32 s3, s9;
	s6 =	sadd.s32 @!p0 $0x88, s6;
	s7 =	simm.s32 @p2 $0x1082  }
0x22: {  	[simem:s7], [sflag:s8] =	dma.local @!p0 [hbm:s6], $0xF7A  }
0x23: {  	s9 =	sor.u32 $0xD0000000, s2;
	s6 =	simm.s32 $0x108;
	_ =	swait.ge @!p0 [sflag:s8], $0x0  }
0x24: {  	s3 =	sadd.s32 $0x88, s3;
	s6 =	simm.s32 @!p1 $0x1082;
	[sflag:s4] =	ssyncset.s32 $0xFFFFF086  }
0x25: {  	[simem:s6], [sflag:s4] =	dma.local [hbm:s3], $0xF7A  }
0x26: {  	[smem:$0x3F9E] =	sst s1;
	(tag) =	ssettag s2;
	_ =	strace s9  }
0x27: {  	s1 =	sld [smem:$0x3FAE]  }
0x28: {  	s2 =	sld [smem:$0x3FAF]  }
0x29: {  	s4 =	sld [smem:$0x3FB1]  }
0x2a: {  	p0 =	seq.s32 s5, $0x0;
	s5 =	sld [smem:$0x3FB2]  }
0x2b: {  	s6 =	sld [smem:$0x3FB3]  }
0x2c: {  	s7 =	sld [smem:$0x3FB4]  }
0x2d: {  	s3 =	simm.s32 $0x108;
	s8 =	sld [smem:$0x3FB5]  }
0x2e: {  	s3 =	simm.s32 @!p0 $0x1082;
	s9 =	sld [smem:$0x3FB6]  }
0x2f: {  	lr =	sadd.s32 s0, s3;
	s0 =	sld [smem:$0x3FAD]  }
0x30: {  	s3 =	sld [smem:$0x3FB0]  }
0x31: {  	[smem:$0x3FB9] =	sst s10  }
0x32: {  	s10 =	sld [smem:$0x3FB7];
	_ =	sdelay $0x3  }
0x33: {  	p0 =	seq.s32 s10, $0x1;
	s10 =	sld [smem:$0x3FB9];
	_ =	sdelay $0x3  }
0x34: {  	[smem:$0x3FB9] =	sst s10  }
0x35: {  	s10 =	sld [smem:$0x3FB8];
	_ =	sdelay $0x3  }
0x36: {  	p1 =	seq.s32 s10, $0x1;
	s10 =	sld [smem:$0x3FB9];
	_ =	sdelay $0x3  }
0x37: {  	[smem:$0x3FB9] =	sst s10  }
0x38: {  	s10 =	sld [smem:$0x3FBA]  }
0x39: {  	_ = 	snop;
	(pc) =	sbr.ind lr, $3  }
0x3a: {  	_ = 	snop  }
0x3b: {  	_ = 	snop  }
0x3c: {  	p2 =	seq.s32 s10, $0x1;
	s10 =	sld [smem:$0x3FB9]  }
0x3d: {  	_ =	shalt  }
0x3e: {  	_ =	shalt  }
0x3f: {  	_ =	shalt  }
0x40: {  	_ =	shalt  }
0x41: {  	_ =	shalt  }
0x42: {  	_ =	shalt  }
0x43: {  	_ =	shalt  }
0x44: {  	_ =	shalt  }
0x45: {  	_ =	shalt  }
0x46: {  	_ =	shalt  }
0x47: {  	_ =	shalt  }
0x48: {  	_ =	shalt  }
0x49: {  	_ =	shalt  }
0x4a: {  	_ =	shalt  }
0x4b: {  	_ =	shalt  }
0x4c: {  	_ =	shalt  }
0x4d: {  	_ =	shalt  }
0x4e: {  	_ =	shalt  }
0x4f: {  	_ =	shalt  }
0x50: {  	_ =	shalt  }
0x51: {  	_ =	shalt  }
0x52: {  	_ =	shalt  }
0x53: {  	_ =	shalt  }
0x54: {  	_ =	shalt  }
0x55: {  	_ =	shalt  }
0x56: {  	_ =	shalt  }
0x57: {  	_ =	shalt  }
0x58: {  	_ =	shalt  }
0x59: {  	_ =	shalt  }
0x5a: {  	_ =	shalt  }
0x5b: {  	_ =	shalt  }
0x5c: {  	_ =	shalt  }
0x5d: {  	_ =	shalt  }
0x5e: {  	_ =	shalt  }
0x5f: {  	_ =	shalt  }
0x60: {  	_ =	shalt  }
0x61: {  	_ =	shalt  }
0x62: {  	_ =	shalt  }
0x63: {  	_ =	shalt  }
0x64: {  	_ =	shalt  }
0x65: {  	_ =	shalt  }
0x66: {  	_ =	shalt  }
0x67: {  	_ =	shalt  }
0x68: {  	_ =	shalt  }
0x69: {  	_ =	shalt  }
0x6a: {  	_ =	shalt  }
0x6b: {  	_ =	shalt  }
0x6c: {  	_ =	shalt  }
0x6d: {  	_ =	shalt  }
0x6e: {  	_ =	shalt  }
0x6f: {  	_ =	shalt  }
0x70: {  	_ =	shalt  }
0x71: {  	_ =	shalt  }
0x72: {  	_ =	shalt  }
0x73: {  	_ =	shalt  }
0x74: {  	_ =	shalt  }
0x75: {  	_ =	shalt  }
0x76: {  	_ =	shalt  }
0x77: {  	_ =	shalt  }
0x78: {  	_ =	shalt  }
0x79: {  	_ =	shalt  }
0x7a: {  	_ =	shalt  }
0x7b: {  	_ =	shalt  }
0x7c: {  	_ =	shalt  }
0x7d: {  	_ =	shalt  }
0x7e: {  	_ =	shalt  }
0x7f: {  	_ =	shalt  }
0x80: {  	_ =	shalt  }
0x81: {  	_ =	shalt  }
0x82: {  	_ =	shalt  }
0x83: {  	_ =	shalt  }
0x84: {  	_ =	shalt  }
0x85: {  	_ =	shalt  }
0x86: {  	_ =	shalt  }
0x87: {  	_ =	shalt  }
.Lfunc_end0:
.L_simem_size_0:
called_computation_lowered:
.L_overlay_start_0:
0x88: {  	s2 =	sld [smem:$0x3FD9]  }
0x89: {  	s3 =	sld [smem:$0x3FFE];
	_ =	sdelay $0x1  }
0x8a: {  	s1 =	srdreg.scid  }
0x8b: {  	s0 =	sand.u32 $0x1, s1  }
0x8c: {  	s16 =	sshll.u32 s0, $0xA;
	s2 =	sadd.s32 s3, s2  }
0x8d: {  	s2 =	sadd.s32 s2, s16  }
0x8e: {  	[smem:$0x3FC5] =	sst s2  }
0x8f: {  	_ = 	snop  }
0x90: {  	(tm) =	ssettm $0x1  }
0x91: {  	s17 =	sld [smem:$0x3FFB];
	_ =	sdelay $0x3  }
0x92: {  	_ =	strace s17  }
0x93: {  	s2 =	sld [smem:$0x3FFC];
	_ =	sdelay $0x3  }
0x94: {  	_ =	strace s2  }
0x95: {  	s2 =	sld [smem:$0x3FFD];
	_ =	sdelay $0x3  }
0x96: {  	_ =	strace s2  }
0x97: {  	_ =	strace $0x8FFFFFFF  }
0x98: {  	s18 =	sld [smem:$0x3FDB];
	_ =	sdelay $0x1  }
0x99: {  	s19 =	simm.s32 $_scs_section_size  }
0x9a: {  	s4 =	simm.s32 $_size__tile_overlayer_lowered;
	s5 =	simm.s32 $_tile_overlayer_lowered  }
0x9b: {  	s22 =	simm.s32 $0x1BFF;
	s21 =	sshll.u32 s5, $0x1;
	s2 =	sadd.s32 s19, s18  }
0x9c: {  	s6 =	simm.s32 $0x0;
	s20 =	sshll.u32 s4, $0x1;
	s4 =	sadd.s32 s21, s2  }
0x9d: {  	[timem:s6], [sflag:s22] =	dma.local [hbm:s4], s20  }
0x9e: {  	_ =	swait.ge [sflag:s22], s20  }
0x9f: {  	s3 =	ssub.s32 $0x0, s20;
	[sflag:s22] =	ssyncset.done $0x0  }
0xa0: {  	[sflag:s22] =	ssyncadd.s32 s3;
	_ =	sdelay $0x1  }
0xa1: {  	s23 =	simm.s32 $0x1B8B  }
0xa2: {  	_ =	swait.ge [sflag:s23], $0x1  }
0xa3: {  	[sflag:s23] =	ssyncset.done $0x0  }
0xa4: {  	s25 =	simm.s32 $0x1B8E;
	s24 =	sld [smem:$0x3FFE];
	[sflag:s23] =	ssyncadd.s32 $0xFFFFFFFF  }
0xa5: {  	s26 =	simm.s32 $execute0_lowered;
	[smem:$0x3FD2] =	sst s25  }
0xa6: {  	s4 =	sshll.u32 s26, $0x1;
	_ =	strace $0x80000046;
	[dreg:$0x1] =	wrdreg $0xFFFFFFFF  }
0xa7: {  	s28 =	simm.s32 $_size_execute0_lowered;
	s2 =	sadd.s32 s2, s4;
	[dreg:$0x0] =	wrdreg $0x0  }
0xa8: {  	s4 =	sshll.u32 s28, $0x1;
	[dreg:$0x2] =	wrdreg s2  }
0xa9: {  	[dreg:$0x3] =	wrdreg s4  }
0xaa: {  	[dreg:$0x4] =	wrdreg $0xC0  }
0xab: {  	_ =	task [dreg:s6], $0x5FFFF  }
0xac: {  	[dreg:$0x1] =	wrdreg $0xFFFFFFFF  }
0xad: {  	[dreg:$0x0] =	wrdreg $0x60  }
0xae: {  	[dreg:$0x2] =	wrdreg s24  }
0xaf: {  	[dreg:$0x3] =	wrdreg $0x9  }
0xb0: {  	_ =	task.clear_ibuf [dreg:s6], $0x4FFFF;
	_ =	strace $0x90000046  }
0xb1: {  	s29 =	simm.s32 $0x9;
	_ =	strace $0x80000048  }
0xb2: {  	_ =	swait.ge [sflag:s29], $0x1  }
0xb3: {  	[sflag:s29] =	ssyncadd.s32 $0xFFFFFFFF  }
0xb4: {  	_ =	strace $0x90000048  }
0xb5: {  	_ =	sfence  }
0xb6: {  	s30 =	sld [smem:$0x0];
	_ =	sdelay $0x2  }
0xb7: {  	s31 =	sshll.u32 s1, $0xD;
	s1 =	sshrl.u32 s1, $0x2  }
0xb8: {  	s3 =	sand.u32 $0x4000, s31;
	s1 =	sadd.s32 s1, s30  }
0xb9: {  	s0 =	sor.u32 s3, s0;
	s1 =	sshll.u32 s1, $0x11  }
0xba: {  	s0 =	sor.u32 s1, s0  }
0xbb: {  	s0 =	sadd.s32 $0x8F2B, s0  }
0xbc: {  	[sflag:s0] =	ssyncadd.remote.s32 $0x1  }
0xbd: {  	_ =	sfence.sel $0xFFFF  }
0xbe: {  	[dreg:$0x0] =	wrdreg $0xFFFFFFFF;
	(pc) =	sbr.abs _section_cstart, $3  }
0xbf: {  	[dreg:$0x1] =	wrdreg $0xFFFFFFFF  }
0xc0: {  	_ =	task.clear_ibuf [dreg:s6], $0x2FFFF;
	_ =	strace $0x9FFFFFFF  }
0xc1: {  	(tm) =	ssettm $0x7FFFFFFF  }
tec
execute0_lowered:
.L_overlay_start_1:
0x0: {  	(tag) =	ssettag $0x1  }
0x1: {  	s1 =	srdreg.scid;
	s0 =	stileid.u32  }
0x2: {  	s5 =	rddreg [dreg:$0x0];
	s2 =	simm.s32 $0x0;
	s11 =	simm.s32 $0xC80  }
0x3: {  	s12 =	simm.s32 $0x50;
	s13 =	simm.s32 $0x1068;
	s14 =	simm.s32 $0x1108  }
0x4: {  	s15 =	simm.s32 $0x1;
	s16 =	simm.s32 $0x1608;
	s17 =	simm.s32 $0x0  }
0x5: {  	s4 =	sand.u32 $0x1, s1;
	s3 =	sshll.u32 s0, $0x1;
	[smem:$0x7FF] =	sst s2  }
0x6: {  	s1 =	rddreg [dreg:$0x1];
	s6 =	sor.u32 s4, s3;
	_ =	strace $0x80000047  }
0x7: {  	v0 =	vlaneseq.u32;
	s3 =	sadd.s32 $0xE00, s5;
	s8 =	ssub.s32 $0x2, s4;
	s7 =	smul.u32 $0xC8, s6  }
0x8: {  	v0 =	vmul.u32 $0x10, v0;
	s4 =	sadd.s32 $0xC00, s5;
	s6 =	sshll.u32 s6, $0x1;
	s9 =	sshrl.u32 s8, $0x1  }
0x9: {  	s10 =	sadd.s32 s6, s5;
	s8 =	ssub.s32 s8, s9;
	s7 =	sadd.s32 s7, s5  }
0xa: {  	v1 =	vimm.f32 $0.0e+00;
	v2 =	vor.u32 $0x100, v0;
	s9 =	simm.s32 $0x2;
	s8 =	smax.u32 s8, $0x1;
	s5 =	sadd.s32 $0x1F800, s7  }
0xb: {  	v3 =	vor.u32 $0x200, v0;
	v4 =	vor.u32 $0x300, v0;
	v5 =	vor.u32 $0x400, v0;
	s6 =	sadd.s32 $0x21200, s7;
	s7 =	sadd.s32 $0x22C00, s10;
	s10 =	simm.s32 $0x640  }
.LBB2_1:
0xc: {  	[tilespmem:s2], [sflag:$0x2] =	stream.linear.gather [hbm4b:s5+s2], $0x640, $0x38;
	[tilespmem:$0x1618] =	vst v63  }
0xd: {  	_ =	swait.ge [sflag:s9], $0x640  }
0xe: {  	[sflag:s9] =	ssyncset.done $0x0  }
0xf: {  	[sflag:s9] =	ssyncadd.s32 $0xFFFFF9C0  }
0x10: {  	[tilespmem:s10], [sflag:$0x2] =	stream.linear.gather [hbm4b:s6+s2], $0x640, $0x38;
	[tilespmem:$0x1618] =	vst v63  }
0x11: {  	_ =	swait.ge [sflag:s9], $0x640  }
0x12: {  	[sflag:s9] =	ssyncset.done $0x0  }
0x13: {  	[sflag:s9] =	ssyncadd.s32 $0xFFFFF9C0  }
0x14: {  	[tilespmem:s11], [sflag:$0x2] =	stream.linear.gather [hbm4b:s4+s2], $0x3E8, $0x38;
	[tilespmem:$0x1618] =	vst v63  }
0x15: {  	_ =	swait.ge [sflag:s9], $0x3E8  }
0x16: {  	[sflag:s9] =	ssyncset.done $0x0  }
0x17: {  	[sflag:s9] =	ssyncadd.s32 $0xFFFFFC18  }
0x18: {  	s18 =	simm.s32 $0x0;
	[tilespmem:$0x1608] =	vst v1  }
.LBB2_2:
0x19: {  	s19 =	sshra.s32 s18, $0x2  }
0x1a: {  	v6 =	vld [tilespmem:s19+$0x0];
	_ =	sdelay $0x1  }
0x1b: {  	v7 =	vld [tilespmem:s19+$0x640];
	_ =	sdelay $0x2  }
0x1c: {  	v6 =	vmul.u32 $0x3E8, v6;
	_ =	sdelay $0x1  }
0x1d: {  	v6 =	vadd.s32 v7, v6  }
0x1e: {  	v7 =	vshrl.u32 v6, $0x4  }
0x1f: {  	v6 =	vand.u32 $0xF, v6;
	[tilespmem:$0x1068] =	vst v7  }
0x20: {  	[tilespmem:$0x10B8] =	vst v6  }
0x21: {  	v6 =	vld [tilespmem:s19+$0x10];
	_ =	sdelay $0x1  }
0x22: {  	v7 =	vld [tilespmem:s19+$0x650];
	_ =	sdelay $0x2  }
0x23: {  	v6 =	vmul.u32 $0x3E8, v6;
	_ =	sdelay $0x1  }
0x24: {  	v6 =	vadd.s32 v7, v6  }
0x25: {  	v7 =	vshrl.u32 v6, $0x4  }
0x26: {  	v6 =	vand.u32 $0xF, v6;
	[tilespmem:$0x1078] =	vst v7  }
0x27: {  	[tilespmem:$0x10C8] =	vst v6  }
0x28: {  	v6 =	vld [tilespmem:s19+$0x20];
	_ =	sdelay $0x1  }
0x29: {  	v7 =	vld [tilespmem:s19+$0x660];
	_ =	sdelay $0x2  }
0x2a: {  	v6 =	vmul.u32 $0x3E8, v6;
	_ =	sdelay $0x1  }
0x2b: {  	v6 =	vadd.s32 v7, v6  }
0x2c: {  	v7 =	vshrl.u32 v6, $0x4  }
0x2d: {  	v6 =	vand.u32 $0xF, v6;
	[tilespmem:$0x1088] =	vst v7  }
0x2e: {  	[tilespmem:$0x10D8] =	vst v6  }
0x2f: {  	v6 =	vld [tilespmem:s19+$0x30];
	_ =	sdelay $0x1  }
0x30: {  	v7 =	vld [tilespmem:s19+$0x670];
	_ =	sdelay $0x2  }
0x31: {  	v6 =	vmul.u32 $0x3E8, v6;
	_ =	sdelay $0x1  }
0x32: {  	v6 =	vadd.s32 v7, v6  }
0x33: {  	v7 =	vshrl.u32 v6, $0x4  }
0x34: {  	v6 =	vand.u32 $0xF, v6;
	[tilespmem:$0x1098] =	vst v7  }
0x35: {  	[tilespmem:$0x10E8] =	vst v6  }
0x36: {  	v6 =	vld [tilespmem:s19+$0x40];
	_ =	sdelay $0x1  }
0x37: {  	v7 =	vld [tilespmem:s19+$0x680];
	_ =	sdelay $0x2  }
0x38: {  	v6 =	vmul.u32 $0x3E8, v6;
	_ =	sdelay $0x1  }
0x39: {  	v6 =	vadd.s32 v7, v6  }
0x3a: {  	v7 =	vshrl.u32 v6, $0x4  }
0x3b: {  	v6 =	vand.u32 $0xF, v6;
	[tilespmem:$0x10A8] =	vst v7  }
0x3c: {  	[tilespmem:$0x10F8] =	vst v6  }
0x3d: {  	[tilespmem:s14], [sflag:$0x1] =	stream.indirect.gather [hbm4b:s3+s12], $0x10, s13, s12, $0xb8;
	[tilespmem:$0x1618] =	vst v63  }
0x3e: {  	_ =	swait.ge [sflag:s15], $0x500  }
0x3f: {  	[sflag:s15] =	ssyncset.done $0x0  }
0x40: {  	[sflag:s15] =	ssyncadd.s32 $0xFFFFFB00  }
0x41: {  	v6 =	vld [tilespmem:$0x10B8]  }
0x42: {  	v7 =	vld [tilespmem:s19+$0x0];
	_ =	sdelay $0x3  }
0x43: {  	v6 =	vadd.s32 v0, v6;
	_ =	sdelay $0x3  }
0x44: {  	v7 =	vld.idx.msk [tilespmem:v7+s11+$0x0], $0xffff  }
0x45: {  	v6 =	vld.idx.msk [tilespmem:v6+s14+$0x0], $0xffff;
	_ =	sdelay $0x1  }
0x46: {  	v8 =	vld [tilespmem:$0x1608];
	_ =	sdelay $0x2  }
0x47: {  	v6 =	vsub.f32 v7, v6;
	_ =	sdelay $0x1  }
0x48: {  	v7 =	vld [tilespmem:$0x10C8];
	v6 =	vadd.f32 v6, v8;
	_ =	sdelay $0x1  }
0x49: {  	[tilespmem:$0x1608] =	vst v6  }
0x4a: {  	v60 =	vld [tilespmem:s19+$0x10];
	_ =	sdelay $0x1  }
0x4b: {  	v7 =	vadd.s32 v2, v7;
	_ =	sdelay $0x4  }
0x4c: {  	v7 =	vld.idx.msk [tilespmem:v7+s14+$0x0], $0xffff  }
0x4d: {  	v8 =	vld.idx.msk [tilespmem:v60+s11+$0x0], $0xffff;
	_ =	sdelay $0x4  }
0x4e: {  	v7 =	vsub.f32 v8, v7;
	_ =	sdelay $0x1  }
0x4f: {  	v6 =	vadd.f32 v7, v6;
	v7 =	vld [tilespmem:$0x10D8];
	_ =	sdelay $0x1  }
0x50: {  	[tilespmem:$0x1608] =	vst v6  }
0x51: {  	v61 =	vld [tilespmem:s19+$0x20];
	_ =	sdelay $0x1  }
0x52: {  	v7 =	vadd.s32 v3, v7;
	_ =	sdelay $0x4  }
0x53: {  	v7 =	vld.idx.msk [tilespmem:v7+s14+$0x0], $0xffff  }
0x54: {  	v8 =	vld.idx.msk [tilespmem:v61+s11+$0x0], $0xffff;
	_ =	sdelay $0x4  }
0x55: {  	v7 =	vsub.f32 v8, v7;
	_ =	sdelay $0x1  }
0x56: {  	v6 =	vadd.f32 v7, v6;
	v7 =	vld [tilespmem:$0x10E8];
	_ =	sdelay $0x1  }
0x57: {  	[tilespmem:$0x1608] =	vst v6  }
0x58: {  	v62 =	vld [tilespmem:s19+$0x30];
	_ =	sdelay $0x1  }
0x59: {  	v7 =	vadd.s32 v4, v7;
	_ =	sdelay $0x4  }
0x5a: {  	v7 =	vld.idx.msk [tilespmem:v7+s14+$0x0], $0xffff  }
0x5b: {  	v8 =	vld.idx.msk [tilespmem:v62+s11+$0x0], $0xffff;
	_ =	sdelay $0x4  }
0x5c: {  	v7 =	vsub.f32 v8, v7;
	_ =	sdelay $0x1  }
0x5d: {  	v6 =	vadd.f32 v7, v6;
	v7 =	vld [tilespmem:$0x10F8];
	_ =	sdelay $0x1  }
0x5e: {  	[tilespmem:$0x1608] =	vst v6  }
0x5f: {  	v63 =	vld [tilespmem:s19+$0x40];
	_ =	sdelay $0x1  }
0x60: {  	v7 =	vadd.s32 v5, v7;
	_ =	sdelay $0x4  }
0x61: {  	v7 =	vld.idx.msk [tilespmem:v7+s14+$0x0], $0xffff  }
0x62: {  	v8 =	vld.idx.msk [tilespmem:v63+s11+$0x0], $0xffff;
	_ =	sdelay $0x3  }
0x63: {  	p0 =	sne.s32 s18, $0x17C0  }
.Ltmp0:
0x64: {  	v7 =	vsub.f32 v8, v7;
	(pc) =	sbr.rel @p0 .LBB2_2-.Ltmp0, $3  }
0x65: {  	_ = 	snop  }
0x66: {  	v6 =	vadd.f32 v7, v6;
	_ =	sdelay $0x1  }
0x67: {  	s18 =	sadd.s32 $0x140, s18;
	[tilespmem:$0x1608] =	vst v6  }
0x68: {  	s17 =	sadd.s32 $0x1, s17  }
0x69: {  	p0 =	sne.s32 s17, s8  }
.Ltmp1:
0x6a: {  	_ = 	snop;
	(pc) =	sbr.rel @p0 .LBB2_1-.Ltmp1, $4  }
0x6b: {  	[hbm4b:s7+s2] =	stream.linear.scatter [tilespmem:s16], [sflag:$0x2], $0x10, $0x38;
	[tilespmem:$0x1618] =	vst v63  }
0x6c: {  	_ =	swait.ge [sflag:s9], $0x10  }
0x6d: {  	[sflag:s9] =	ssyncset.done $0x0  }
0x6e: {  	[sflag:s9] =	ssyncadd.s32 $0xFFFFFFF0  }
0x6f: {  	_ =	sfence.sel $0x180000  }
0x70: {  	[bflag:$0x0] =	sbarrier.arrive $0xFFFF  }
0x71: {  	p0 =	sne.s32 s0, $0x0;
	_ =	strace $0x90000047  }
0x72: {  	s0 =	sadd.s32 @!p0 $0x100000, s1;
	[bflag:$0x2] =	sbarrier.arrive $0xFFFF  }
0x73: {  	[sflag:s0] =	ssyncadd.tile.s32 @!p0 $0x1;
	_ =	shalt  }
.Lfunc_end2:
_tile_overlayer_lowered:
.L_overlay_start_2:
0x74: {  	(tag) =	ssettag $0x2  }
0x75: {  	s0 =	rddreg [dreg:$0x0];
	s2 =	stileid.u32  }
0x76: {  	s1 =	rddreg [dreg:$0x1];
	p0 =	sne.s32 s2, $0x0  }
0x77: {  	s3 =	rddreg [dreg:$0x2];
	[bflag:$0x3] =	sbarrier.arrive $0xFFFF;
	s2 =	simm.s32 @!p0 $0x1C02  }
0x78: {  	[timem:s3], [sflag:s2] =	dma.local @!p0 [hbm:s0], s1  }
0x79: {  	s0 =	simm.s32 @!p0 $0x2  }
0x7a: {  	_ =	swait.ge @!p0 [sflag:s0], s1  }
0x7b: {  	s1 =	ssub.s32 @!p0 $0x0, s1;
	[sflag:s0] =	ssyncset.done @!p0 $0x0  }
0x7c: {  	[sflag:s0] =	ssyncadd.s32 @!p0 s1  }
0x7d: {  	[bflag:$0x3] =	sbarrier.arrive $0xFFFF  }
0x7e: {  	_ =	shalt  }

</sc_bundles>
